<compile_context>
chip_gen: v7x
topology: tpu7x:2x2x1
jax: 0.10.2.dev20260603
libtpu: 0.0.44.dev20260713+nightly
codegen_flags: <defaults>
</compile_context>

<pallas_src>
import jax
import jax.numpy as jnp
from jax.experimental import pallas as pl
from jax.experimental.pallas import tpu as pltpu

K = 32
RB = 16


def _sum_body(x_ref, out_ref):
    out_ref[...] = jnp.sum(x_ref[...], axis=1)[None, None, :]


def _topk_body(sums_ref, idx_ref):
    vals = jnp.sum(sums_ref[...], axis=0, keepdims=True)
    c = vals.shape[1]
    iota = jax.lax.broadcasted_iota(jnp.int32, vals.shape, 1)
    kiota = jax.lax.broadcasted_iota(jnp.int32, (1, K), 1)

    def body(j, carry):
        v, idxs = carry
        m = jnp.max(v)
        am = jnp.min(jnp.where(v == m, iota, c))
        idxs = jnp.where(kiota == j, am, idxs)
        v = jnp.where(iota == am, -jnp.inf, v)
        return v, idxs

    _, idxs = jax.lax.fori_loop(
        0, K, body, (vals, jnp.zeros((1, K), jnp.int32)))
    idx_ref[...] = idxs


def _gather_body(idx_ref, x_ref, out_ref):
    del idx_ref
    out_ref[...] = x_ref[...]


def kernel(x):
    b, c, h, w = x.shape
    s = h * w
    x2 = x.reshape(b * c, s)

    row_sums = pl.pallas_call(
        _sum_body,
        grid=(b * c // RB,),
        in_specs=[pl.BlockSpec((RB, s), lambda r: (r, 0))],
        out_specs=pl.BlockSpec((1, 1, RB), lambda r: (r, 0, 0)),
        out_shape=jax.ShapeDtypeStruct((b * c // RB, 1, RB), jnp.float32),
    )(x2)

    idx = pl.pallas_call(
        _topk_body,
        out_shape=jax.ShapeDtypeStruct((1, K), jnp.int32),
    )(row_sums.reshape(b, c))[0]

    x4 = x.reshape(b, c, s // 128, 128)
    out = pl.pallas_call(
        _gather_body,
        grid_spec=pltpu.PrefetchScalarGridSpec(
            num_scalar_prefetch=1,
            grid=(K,),
            in_specs=[pl.BlockSpec(
                (b, 1, s // 128, 128),
                lambda j, idx_ref: (0, idx_ref[j], 0, 0))],
            out_specs=pl.BlockSpec(
                (b, 1, s // 128, 128), lambda j, idx_ref: (0, j, 0, 0)),
        ),
        out_shape=jax.ShapeDtypeStruct((b, K, s // 128, 128), jnp.float32),
    )(idx, x4)
    return out.reshape(b, K, h, w)

# --- scband reference (transcript-rebuilt; emitter-appended) ---
"""Pipeline reference for scband-sf-89008902243126 (READ-ONLY COPY).

The authoritative reference and input builder live on the scoring server;
editing this copy changes nothing except your own understanding.
"""

import jax, jax.numpy as jnp
import numpy as np

FEATURES_TO_KEEP = 32


def setup_inputs(seed: int = 0) -> dict:
    key = jax.random.key(seed)
    x = jax.random.normal(key, (8, 512, 224, 224), dtype=jnp.float32)
    return {"x": x}


def reference(x):
    b, c, h, w = x.shape
    # AdaptiveAvgPool2d(1) -> per-(b,c) spatial mean
    y = jnp.mean(x, axis=(2, 3))  # [b, c]
    mean_y = jnp.mean(y, axis=0, keepdims=True)  # [1, c]
    k = min(FEATURES_TO_KEEP, c)
    _, indices = jax.lax.top_k(mean_y, k)  # [1, k]
    idx = indices[0]  # [k]
    # torch.gather along dim=1 with indices repeated over batch and expanded
    # over (h, w) is equivalent to selecting the same k channels for every
    # batch element.
    reduced_features = jnp.take(x, idx, axis=1)  # [b, k, h, w]
    return reduced_features

if __name__ == "__main__":
    import jax
    _d = setup_inputs()
    print(jax.jit(kernel)(*tuple(_d.values())))

</pallas_src>

<mosaic_0001>
module attributes {stable_mosaic.version = 14 : i64} {
  func.func @_sum_body(%arg0: i32, %arg1: memref<16x50176xf32, #tpu.memory_space<vmem>>, %arg2: memref<1x1x16xf32, #tpu.memory_space<vmem>>) attributes {dimension_semantics = [#tpu.dimension_semantics<arbitrary>], iteration_bounds = array<i64: 256>, scalar_prefetch = 0 : i64, scratch_operands = 0 : i64, tpu.core_type = #tpu.core_type<tc>, window_params = [{transform_indices = @transform_0, window_bounds = array<i64: 16, 50176>}, {transform_indices = @transform_1, window_bounds = array<i64: 1, 1, 16>}]} {
    %get3A = arith.constant 0 : index
    %get3A_0 = arith.constant 0 : index
    %get3A_1 = vector.load %arg1[%get3A, %get3A_0] : memref<16x50176xf32, #tpu.memory_space<vmem>>, vector<16x50176xf32>
    %reduce_sum3A = arith.constant dense<0.000000e+00> : vector<16xf32>
    %reduce_sum3A_2 = vector.multi_reduction <add>, %get3A_1, %reduce_sum3A [1] : vector<16x50176xf32> to vector<16xf32>
    %broadcast_in_dim3A = vector.shape_cast %reduce_sum3A_2 : vector<16xf32> to vector<1x1x16xf32>
    %swap3A = arith.constant 0 : index
    %swap3A_3 = arith.constant 0 : index
    %swap3A_4 = arith.constant 0 : index
    %swap3A_5 = vector.load %arg2[%swap3A, %swap3A_3, %swap3A_4] : memref<1x1x16xf32, #tpu.memory_space<vmem>>, vector<1x1x16xf32>
    tpu.vector_store %arg2[%swap3A, %swap3A_3, %swap3A_4], %broadcast_in_dim3A {strides = array<i32>} : memref<1x1x16xf32, #tpu.memory_space<vmem>>, vector<1x1x16xf32>,
    return
  }
  func.func @transform_0(%arg0: i32) -> (i32, i32) {
    %c0_i32 = arith.constant 0 : i32
    %c0_i32_0 = arith.constant 0 : i32
    return %arg0, %c0_i32 : i32, i32
  }
  func.func @transform_1(%arg0: i32) -> (i32, i32, i32) {
    %c0_i32 = arith.constant 0 : i32
    %c0_i32_0 = arith.constant 0 : i32
    %c0_i32_1 = arith.constant 0 : i32
    return %arg0, %c0_i32, %c0_i32_0 : i32, i32, i32
  }
}

module attributes {stable_mosaic.version = 14 : i64} {
  func.func @_topk_body(%arg0: memref<8x512xf32, #tpu.memory_space<vmem>>, %arg1: memref<1x32xi32, #tpu.memory_space<vmem>>) attributes {dimension_semantics = [], scalar_prefetch = 0 : i64, scratch_operands = 0 : i64, tpu.core_type = #tpu.core_type<tc>} {
    %get3A = arith.constant 0 : index
    %get3A_0 = arith.constant 0 : index
    %get3A_1 = vector.load %arg0[%get3A, %get3A_0] : memref<8x512xf32, #tpu.memory_space<vmem>>, vector<8x512xf32>
    %reduce_sum3A = arith.constant dense<0.000000e+00> : vector<512xf32>
    %reduce_sum3A_2 = vector.multi_reduction <add>, %get3A_1, %reduce_sum3A [0] : vector<8x512xf32> to vector<512xf32>
    %broadcast_in_dim3A = vector.shape_cast %reduce_sum3A_2 : vector<512xf32> to vector<1x512xf32>
    %iota3A = tpu.iota {dimensions = array<i32: 1>} : vector<1x512xi32>
    %iota3A_3 = tpu.iota {dimensions = array<i32: 1>} : vector<1x32xi32>
    %broadcast_in_dim3A_4 = arith.constant 0 : i32
    %broadcast_in_dim3A_5 = vector.broadcast %broadcast_in_dim3A_4 : i32 to vector<1x32xi32>
    %scan3A = arith.constant 0 : i32
    %scan3A_6 = arith.constant 32 : i32
    %scan3A_7 = arith.addi %scan3A, %scan3A_6 : i32
    %scan3A_8 = arith.constant 1 : i32
    %scan3A_9:2 = scf.for %scan3A_13 = %scan3A to %scan3A_7 step %scan3A_8 iter_args(%scan3A_14 = %broadcast_in_dim3A, %scan3A_15 = %broadcast_in_dim3A_5) -> (vector<1x512xf32>, vector<1x32xi32>)  : i32 {
      %reduce_max3A = vector.shape_cast %scan3A_14 : vector<1x512xf32> to vector<1x1x512xf32>
      %reduce_max3A_16 = arith.constant dense<0xFF800000> : vector<1xf32>
      %reduce_max3A_17 = vector.multi_reduction <maximumf>, %reduce_max3A, %reduce_max3A_16 [1, 2] : vector<1x1x512xf32> to vector<1xf32>
      %reduce_max3A_18 = vector.shape_cast %reduce_max3A_17 : vector<1xf32> to vector<1x1x1xf32>
      %reduce_max3A_19 = vector.extract %reduce_max3A_18[0, 0, 0] : f32 from vector<1x1x1xf32>
      %eq3A = vector.broadcast %reduce_max3A_19 : f32 to vector<1x512xf32>
      %eq3A_20 = arith.cmpf oeq, %scan3A_14, %eq3A : vector<1x512xf32>
      %jit3A = arith.constant 512 : i32
      %broadcast_in_dim3A_21 = vector.broadcast %jit3A : i32 to vector<1x512xi32>
      %select_n3A = arith.select %eq3A_20, %iota3A, %broadcast_in_dim3A_21 : vector<1x512xi1>, vector<1x512xi32>
      %reduce_min3A = vector.shape_cast %select_n3A : vector<1x512xi32> to vector<1x1x512xi32>
      %reduce_min3A_22 = arith.constant dense<2147483647> : vector<1xi32>
      %reduce_min3A_23 = vector.multi_reduction <minsi>, %reduce_min3A, %reduce_min3A_22 [1, 2] : vector<1x1x512xi32> to vector<1xi32>
      %reduce_min3A_24 = vector.shape_cast %reduce_min3A_23 : vector<1xi32> to vector<1x1x1xi32>
      %reduce_min3A_25 = vector.extract %reduce_min3A_24[0, 0, 0] : i32 from vector<1x1x1xi32>
      %eq3A_26 = vector.broadcast %scan3A_13 : i32 to vector<1x32xi32>
      %eq3A_27 = arith.cmpi eq, %iota3A_3, %eq3A_26 : vector<1x32xi32>
      %broadcast_in_dim3A_28 = vector.broadcast %reduce_min3A_25 : i32 to vector<1x32xi32>
      %select_n3A_29 = arith.select %eq3A_27, %broadcast_in_dim3A_28, %scan3A_15 : vector<1x32xi1>, vector<1x32xi32>
      %eq3A_30 = vector.broadcast %reduce_min3A_25 : i32 to vector<1x512xi32>
      %eq3A_31 = arith.cmpi eq, %iota3A, %eq3A_30 : vector<1x512xi32>
      %jit3A_32 = arith.constant 0xFF800000 : f32
      %broadcast_in_dim3A_33 = vector.broadcast %jit3A_32 : f32 to vector<1x512xf32>
      %select_n3A_34 = arith.select %eq3A_31, %broadcast_in_dim3A_33, %scan3A_14 : vector<1x512xi1>, vector<1x512xf32>
      scf.yield %select_n3A_34, %select_n3A_29 : vector<1x512xf32>, vector<1x32xi32>
    }
    %scan3A_10 = arith.constant 32 : i32
    %swap3A = arith.constant 0 : index
    %swap3A_11 = arith.constant 0 : index
    %swap3A_12 = vector.load %arg1[%swap3A, %swap3A_11] : memref<1x32xi32, #tpu.memory_space<vmem>>, vector<1x32xi32>
    tpu.vector_store %arg1[%swap3A, %swap3A_11], %scan3A_9#1 {strides = array<i32>} : memref<1x32xi32, #tpu.memory_space<vmem>>, vector<1x32xi32>,
    return
  }
}

module attributes {stable_mosaic.version = 14 : i64} {
  func.func @_gather_body(%arg0: i32, %arg1: memref<32xi32, #tpu.memory_space<smem>>, %arg2: memref<8x1x392x128xf32, #tpu.memory_space<vmem>>, %arg3: memref<8x1x392x128xf32, #tpu.memory_space<vmem>>) attributes {dimension_semantics = [#tpu.dimension_semantics<arbitrary>], iteration_bounds = array<i64: 32>, scalar_prefetch = 1 : i64, scratch_operands = 0 : i64, tpu.core_type = #tpu.core_type<tc>, window_params = [{transform_indices = @transform_0, window_bounds = array<i64: 8, 1, 392, 128>}, {transform_indices = @transform_1, window_bounds = array<i64: 8, 1, 392, 128>}]} {
    %get3A = arith.constant 0 : index
    %get3A_0 = arith.constant 0 : index
    %get3A_1 = arith.constant 0 : index
    %get3A_2 = arith.constant 0 : index
    %get3A_3 = vector.load %arg2[%get3A, %get3A_0, %get3A_1, %get3A_2] : memref<8x1x392x128xf32, #tpu.memory_space<vmem>>, vector<8x1x392x128xf32>
    %swap3A = arith.constant 0 : index
    %swap3A_4 = arith.constant 0 : index
    %swap3A_5 = arith.constant 0 : index
    %swap3A_6 = arith.constant 0 : index
    %swap3A_7 = vector.load %arg3[%swap3A, %swap3A_4, %swap3A_5, %swap3A_6] : memref<8x1x392x128xf32, #tpu.memory_space<vmem>>, vector<8x1x392x128xf32>
    tpu.vector_store %arg3[%swap3A, %swap3A_4, %swap3A_5, %swap3A_6], %get3A_3 {strides = array<i32>} : memref<8x1x392x128xf32, #tpu.memory_space<vmem>>, vector<8x1x392x128xf32>,
    return
  }
  func.func @transform_0(%arg0: i32, %arg1: memref<32xi32, #tpu.memory_space<smem>>) -> (i32, i32, i32, i32) {
    %get3A = arith.index_cast %arg0 : i32 to index
    %get3A_0 = memref.load %arg1[%get3A] : memref<32xi32, #tpu.memory_space<smem>>
    %c0_i32 = arith.constant 0 : i32
    %c0_i32_1 = arith.constant 0 : i32
    %c0_i32_2 = arith.constant 0 : i32
    %c0_i32_3 = arith.constant 0 : i32
    return %c0_i32, %get3A_0, %c0_i32_1, %c0_i32_2 : i32, i32, i32, i32
  }
  func.func @transform_1(%arg0: i32, %arg1: memref<32xi32, #tpu.memory_space<smem>>) -> (i32, i32, i32, i32) {
    %c0_i32 = arith.constant 0 : i32
    %c0_i32_0 = arith.constant 0 : i32
    %c0_i32_1 = arith.constant 0 : i32
    %c0_i32_2 = arith.constant 0 : i32
    return %c0_i32, %arg0, %c0_i32_0, %c0_i32_1 : i32, i32, i32, i32
  }
}

</mosaic_0001>

<sc_bundles>
// kernel: sparse-core-data-format-call.cloned.1.call-start
scs
called_computation_lowered:
.L_overlay_start_0:
0x0: {  	s2 =	sld [smem:$0x3FD9]  }
0x1: {  	s3 =	sld [smem:$0x3FFE];
	_ =	sdelay $0x1  }
0x2: {  	s1 =	srdreg.scid  }
0x3: {  	s0 =	sand.u32 $0x1, s1  }
0x4: {  	s18 =	sshll.u32 s0, $0xA;
	s2 =	sadd.s32 s3, s2  }
0x5: {  	s2 =	sadd.s32 s2, s18  }
0x6: {  	[smem:$0x3FC7] =	sst s2  }
0x7: {  	_ = 	snop  }
0x8: {  	s2 =	sld [smem:$0x3FC9];
	(tm) =	ssettm $0x1  }
0x9: {  	s19 =	sld [smem:$0x3FFB];
	_ =	sdelay $0x3  }
0xa: {  	_ =	strace s19  }
0xb: {  	s3 =	sld [smem:$0x3FFC];
	_ =	sdelay $0x3  }
0xc: {  	_ =	strace s3  }
0xd: {  	s3 =	sld [smem:$0x3FFD];
	_ =	sdelay $0x3  }
0xe: {  	_ =	strace s3  }
0xf: {  	_ =	strace $0x8FFFFFFF  }
0x10: {  	s20 =	sld [smem:$0x3FDB];
	_ =	sdelay $0x1  }
0x11: {  	s4 =	simm.s32 $_scs_section_size  }
0x12: {  	s5 =	simm.s32 $_size__tile_overlayer_lowered;
	s6 =	simm.s32 $_tile_overlayer_lowered  }
0x13: {  	s23 =	simm.s32 $0x1BFF;
	s22 =	sshll.u32 s6, $0x1;
	s3 =	sadd.s32 s4, s20  }
0x14: {  	s7 =	simm.s32 $0x0;
	s21 =	sshll.u32 s5, $0x1;
	s5 =	sadd.s32 s22, s3  }
0x15: {  	[timem:s7], [sflag:s23] =	dma.local [hbm:s5], s21  }
0x16: {  	_ =	swait.ge [sflag:s23], s21  }
0x17: {  	s4 =	ssub.s32 $0x0, s21;
	[sflag:s23] =	ssyncset.done $0x0  }
0x18: {  	[sflag:s23] =	ssyncadd.s32 s4;
	_ =	sdelay $0x1  }
0x19: {  	s24 =	simm.s32 $0x1B8B  }
0x1a: {  	_ =	swait.ge [sflag:s24], $0x1  }
0x1b: {  	[sflag:s24] =	ssyncset.done $0x0  }
0x1c: {  	s26 =	simm.s32 $0x1B8E;
	s25 =	sld [smem:$0x3FFE];
	[sflag:s24] =	ssyncadd.s32 $0xFFFFFFFF  }
0x1d: {  	s27 =	simm.s32 $execute0_lowered;
	[smem:$0x3FD2] =	sst s26  }
0x1e: {  	s5 =	sshll.u32 s27, $0x1;
	_ =	strace $0x80000046;
	[dreg:$0x1] =	wrdreg $0xFFFFFFFF  }
0x1f: {  	s28 =	simm.s32 $_size_execute0_lowered;
	s3 =	sadd.s32 s3, s5;
	[dreg:$0x0] =	wrdreg $0x0  }
0x20: {  	s5 =	sshll.u32 s28, $0x1;
	[dreg:$0x2] =	wrdreg s3  }
0x21: {  	[dreg:$0x3] =	wrdreg s5  }
0x22: {  	[dreg:$0x4] =	wrdreg $0xC0  }
0x23: {  	_ =	task [dreg:s7], $0x5FFFF  }
0x24: {  	[dreg:$0x1] =	wrdreg $0xFFFFFFFF  }
0x25: {  	[dreg:$0x0] =	wrdreg $0x60  }
0x26: {  	[dreg:$0x2] =	wrdreg s2  }
0x27: {  	[dreg:$0x3] =	wrdreg s25  }
0x28: {  	[dreg:$0x4] =	wrdreg $0x9  }
0x29: {  	_ =	task.clear_ibuf [dreg:s7], $0x5FFFF;
	_ =	strace $0x90000046  }
0x2a: {  	s29 =	simm.s32 $0x9;
	_ =	strace $0x80000048  }
0x2b: {  	_ =	swait.ge [sflag:s29], $0x1  }
0x2c: {  	[sflag:s29] =	ssyncadd.s32 $0xFFFFFFFF  }
0x2d: {  	_ =	strace $0x90000048  }
0x2e: {  	_ =	sfence  }
0x2f: {  	s30 =	sld [smem:$0x0];
	_ =	sdelay $0x2  }
0x30: {  	s31 =	sshll.u32 s1, $0xD;
	s1 =	sshrl.u32 s1, $0x2  }
0x31: {  	s3 =	sand.u32 $0x4000, s31;
	s1 =	sadd.s32 s1, s30  }
0x32: {  	s0 =	sor.u32 s3, s0;
	s1 =	sshll.u32 s1, $0x11  }
0x33: {  	s0 =	sor.u32 s1, s0  }
0x34: {  	s0 =	sadd.s32 $0x8F2B, s0  }
0x35: {  	[sflag:s0] =	ssyncadd.remote.s32 $0x1  }
0x36: {  	_ =	sfence.sel $0xFFFF  }
0x37: {  	[dreg:$0x0] =	wrdreg $0xFFFFFFFF;
	(pc) =	sbr.abs _section_cstart, $3  }
0x38: {  	[dreg:$0x1] =	wrdreg $0xFFFFFFFF  }
0x39: {  	_ =	task.clear_ibuf [dreg:s7], $0x2FFFF;
	_ =	strace $0x9FFFFFFF  }
0x3a: {  	(tm) =	ssettm $0x7FFFFFFF  }
0x3b: {  	_ =	shalt  }
tec
execute0_lowered:
.L_overlay_start_1:
0x0: {  	(tag) =	ssettag $0x1  }
0x1: {  	s2 =	rddreg [dreg:$0x0];
	s0 =	srdreg.scid  }
0x2: {  	s3 =	rddreg [dreg:$0x1];
	s1 =	stileid.u32  }
0x3: {  	s7 =	simm.s32 $0x2;
	s15 =	simm.s32 $0x0;
	p0 =	por $0x0, $0x0  }
0x4: {  	s8 =	simm.s32 $0xE000;
	s14 =	simm.s32 $0x0;
	s17 =	simm.s32 $0x0  }
0x5: {  	s16 =	simm.s32 $0x0;
	s10 =	simm.s32 $0x0;
	s11 =	simm.s32 $0x0  }
.Ltmp0:
0x6: {  	s9 =	simm.s32 $0x0;
	s4 =	sshll.u32 s0, $0x4;
	(pc) =	sbr.rel .LBB1_1-.Ltmp0, $4  }
0x7: {  	s0 =	rddreg [dreg:$0x2];
	_ =	strace $0x80000047;
	s4 =	sand.u32 $0x10, s4  }
0x8: {  	s5 =	sand.u32 $0x7, s1;
	s6 =	sor.u32 s1, s4;
	s4 =	simm.s32 $0x1  }
0x9: {  	s13 =	smov.u32 s5;
	[sflag:s4] =	ssyncpa.u1 $0x0;
	s6 =	sshrl.u32 s6, $0x3  }
0xa: {  	[sflag:s7] =	ssyncpa.u1 $0x0;
	s7 =	simm.s32 $0x1000;
	s12 =	smov.u32 s6  }
.LBB1_3:
0xb: {  	p1 =	seq.s32 s9, $0x0  }
0xc: {  	p2 =	seq.s32 @!p1 s9, $0x1C1  }
0xd: {  	p1 =	por p1, p2  }
.Ltmp1:
0xe: {  	_ = 	snop;
	(pc) =	sbr.rel @!p1 .LBB1_4-.Ltmp1, $1  }
0xf: {  	_ =	sdelay $0x3  }
.LBB1_7:
0x10: {  	s18 =	sadd.s32 $0x80, s10  }
0x11: {  	s14 =	sadd.s32 $0x80, s11;
	s19 =	smov.u32 s11;
	p2 =	sgt.s32 s18, $0x1FF  }
0x12: {  	s19 =	smov.u32 @p2 s14  }
0x13: {  	s20 =	smov.u32 s12;
	s14 =	sadd.s32 $0x4, s12;
	p3 =	sgt.s32 s19, $0xDF  }
0x14: {  	s20 =	smov.u32 @p3 s14  }
0x15: {  	s21 =	smov.u32 s13;
	s14 =	sadd.s32 $0x8, s13;
	p4 =	sgt.s32 s20, $0xDF  }
0x16: {  	p1 =	slt.u32 s9, $0x2;
	s21 =	smov.u32 @p4 s14  }
0x17: {  	s9 =	sadd.s32 $0x1, s9;
	s18 =	simm.s32 @p2 $0x0;
	p2 =	sgt.s32 s21, $0x7  }
0x18: {  	s15 =	smov.u32 s10;
	s21 =	smov.u32 @p2 s5;
	p2 =	sne.s32 s9, $0x1C2  }
.Ltmp2:
0x19: {  	s17 =	smov.u32 s12;
	s22 =	simm.s32 @!p1 $0x2;
	(pc) =	sbr.rel @!p2 .LBB1_8-.Ltmp2, $4  }
0x1a: {  	s16 =	smov.u32 s13;
	p0 =	por !p0, !p0;
	_ =	swait.ge @!p1 [sflag:s22], $0x4000  }
0x1b: {  	[sflag:s22] =	ssyncset.done @!p1 $0x0;
	s10 =	smov.u32 s18;
	s19 =	simm.s32 @p3 $0x0  }
0x1c: {  	[sflag:s22] =	ssyncadd.s32 @!p1 $0xFFFFC000;
	s20 =	smov.u32 @p4 s6;
	s14 =	smov.u32 s11  }
0x1d: {  	s11 =	smov.u32 s19;
	s12 =	smov.u32 s20;
	s13 =	smov.u32 s21  }
.LBB1_1:
0x1e: {  	p1 =	sgt.u32 s9, $0x1BF  }
.Ltmp3:
0x1f: {  	_ = 	snop;
	(pc) =	sbr.rel @p1 .LBB1_3-.Ltmp3, $1  }
0x20: {  	_ =	sdelay $0x3  }
0x21: {  	s18 =	sand.u32 $0x78, s10;
	s19 =	sshll.u32 s11, $0x9  }
0x22: {  	s20 =	sshll.u32 s10, $0x3;
	s21 =	sshll.u32 s11, $0x7;
	p1 =	sgt.s32 s13, $0x7  }
0x23: {  	s25 =	sshra.s32 s13, $0x1F;
	s22 =	smov.u32 s12;
	s23 =	sshra.s32 s12, $0x1F  }
0x24: {  	s28 =	sshra.s32 s11, $0x1F;
	s30 =	sshra.s32 s10, $0x1F;
	s31 =	sxor.u32 $0xFFFFFFFF, s9  }
0x25: {  	s19 =	sand.u32 $0xFFFFF000, s19;
	s20 =	sand.u32 $0xFFFFFC00, s20;
	s24 =	sand.u32 $0x200, s21  }
0x26: {  	s21 =	sand.u32 $0x180, s21;
	s26 =	sand.u32 s23, s12;
	s29 =	sand.u32 s28, s11  }
0x27: {  	s19 =	sadd.s32 s19, s20;
	s18 =	sor.u32 s18, s21;
	s20 =	smov.u32 s13  }
0x28: {  	s21 =	sand.u32 s25, s13;
	s19 =	sor.u32 s24, s19;
	s20 =	simm.s32 @!p1 $0x7  }
0x29: {  	p1 =	sgt.s32 s12, $0xDF;
	s18 =	sshrl.u32 s18, $0x3;
	s19 =	sshrl.u32 s19, $0x9  }
0x2a: {  	s20 =	ssub.s32 s20, s21;
	s22 =	simm.s32 @!p1 $0xDF;
	s27 =	smulhi.u32 $0x124924A, s19  }
0x2b: {  	s24 =	sadd.s32 $0xFFFFFFF9, s20;
	s21 =	ssub.s32 s22, s26;
	s20 =	ssub.s32 $0x8, s20  }
0x2c: {  	s26 =	smul.u32 $0x310000, s13;
	p1 =	sgt.s32 s24, $0x0;
	s22 =	sadd.s32 $0xFFFFFF21, s21  }
0x2d: {  	s21 =	ssub.s32 $0xE0, s21;
	s24 =	sand.u32 s30, s10;
	s20 =	simm.s32 @p1 $0x0  }
0x2e: {  	p1 =	sgt.s32 s22, $0x0;
	s22 =	smov.u32 s11;
	s23 =	smul.u32 $0xE0, s27  }
0x2f: {  	s27 =	smul.u32 $0x3800, s12;
	s21 =	simm.s32 @p1 $0x0;
	p1 =	sgt.s32 s11, $0x60  }
0x30: {  	s20 =	smul.u32 s20, s21;
	s22 =	simm.s32 @!p1 $0x60;
	p1 =	sgt.s32 s10, $0x180  }
0x31: {  	s19 =	ssub.s32 s19, s23;
	s21 =	ssub.s32 s22, s29;
	s22 =	smov.u32 s10  }
0x32: {  	s29 =	sand.u32 $0x7, s10;
	s25 =	sadd.s32 $0xFFFFFFA0, s21;
	s22 =	simm.s32 @!p1 $0x180  }
0x33: {  	s21 =	ssub.s32 $0xE0, s21;
	p1 =	sgt.s32 s25, $0x7F;
	s22 =	ssub.s32 s22, s24  }
0x34: {  	s19 =	sshll.u32 s19, $0x6;
	s21 =	simm.s32 @p1 $0x0;
	s25 =	sadd.s32 $0xFFFFFE80, s22  }
0x35: {  	s20 =	smul.u32 s21, s20;
	p1 =	sgt.s32 s25, $0x7F;
	s21 =	ssub.s32 $0x200, s22  }
.Ltmp4:
0x36: {  	s22 =	sadd.s32 s2, s26;
	s21 =	simm.s32 @p1 $0x0;
	(pc) =	sbr.rel .LBB1_3-.Ltmp4, $4  }
0x37: {  	s30 =	sshll.u32 s29, $0x12;
	s22 =	sadd.s32 s27, s22;
	s20 =	smul.u32 s21, s20  }
0x38: {  	s24 =	sshll.u32 s31, $0xE;
	s31 =	sor.u32 $0x400, s30;
	s18 =	sadd.s32 s18, s22  }
0x39: {  	s28 =	sand.u32 $0x4000, s24;
	s18 =	sadd.s32 s19, s18;
	s20 =	sand.u32 $0x3FFFFFFF, s20  }
0x3a: {  	[tilespmem:s28], [sflag:$0x1] =	stream.strided.gather [hbm4b:s18+s31], s20, s7, s31, $0x38;
	[tilespmem:$0x10100] =	vst v63  }
.LBB1_4:
0x3b: {  	p1 =	sgt.s32 s16, $0x7;
	s18 =	smov.u32 s16;
	s19 =	sshra.s32 s16, $0x1F  }
0x3c: {  	s20 =	smov.u32 s17;
	s21 =	sshra.s32 s17, $0x1F;
	s25 =	sshra.s32 s14, $0x1F  }
0x3d: {  	s18 =	simm.s32 @!p1 $0x7;
	s19 =	sand.u32 s19, s16;
	p1 =	sgt.s32 s17, $0xDF  }
0x3e: {  	s23 =	sand.u32 s21, s17;
	s18 =	ssub.s32 s18, s19;
	s20 =	simm.s32 @!p1 $0xDF  }
0x3f: {  	s27 =	sshra.s32 s15, $0x1F;
	s24 =	sadd.s32 $0xFFFFFFF9, s18;
	s19 =	ssub.s32 s20, s23  }
0x40: {  	s18 =	ssub.s32 $0x8, s18;
	p1 =	sgt.s32 s24, $0x0;
	s20 =	sadd.s32 $0xFFFFFF21, s19  }
0x41: {  	s19 =	ssub.s32 $0xE0, s19;
	s18 =	simm.s32 @p1 $0x0;
	p1 =	sgt.s32 s20, $0x0  }
0x42: {  	s20 =	smov.u32 s14;
	s19 =	simm.s32 @p1 $0x0;
	p1 =	sgt.s32 s14, $0x60  }
0x43: {  	s26 =	sand.u32 s25, s14;
	s18 =	smul.u32 s18, s19;
	s20 =	simm.s32 @!p1 $0x60  }
0x44: {  	p1 =	sgt.s32 s15, $0x180;
	s19 =	ssub.s32 s20, s26;
	s20 =	smov.u32 s15  }
0x45: {  	s21 =	sand.u32 s27, s15;
	s22 =	sadd.s32 $0xFFFFFFA0, s19;
	s20 =	simm.s32 @!p1 $0x180  }
0x46: {  	s19 =	ssub.s32 $0xE0, s19;
	p1 =	sgt.s32 s22, $0x7F;
	s20 =	ssub.s32 s20, s21  }
0x47: {  	s19 =	simm.s32 @p1 $0x0;
	s21 =	sadd.s32 $0xFFFFFE80, s20  }
0x48: {  	s18 =	smul.u32 s19, s18;
	p1 =	sgt.s32 s21, $0x7F;
	s19 =	ssub.s32 $0x200, s20  }
0x49: {  	s19 =	simm.s32 @p1 $0x0  }
0x4a: {  	s18 =	smul.u32 s19, s18;
	_ =	sdelay $0x1  }
0x4b: {  	s19 =	simm.s32 $0x1;
	s18 =	sand.u32 $0x3FFFFFFF, s18  }
0x4c: {  	s19 =	simm.s32 @!p0 $0x0;
	_ =	swait.ge [sflag:s4], s18  }
0x4d: {  	s28 =	sshll.u32 s19, $0xE;
	s18 =	ssub.s32 $0x0, s18;
	[sflag:s4] =	ssyncset.done $0x0  }
0x4e: {  	s29 =	sor.u32 $0x40, s28;
	[sflag:s4] =	ssyncadd.s32 s18  }
0x4f: {  	s30 =	smul.u32 $0x10200, s19;
	v0 =	vld [tilespmem:s29+$0x30]  }
0x50: {  	v1 =	vld [tilespmem:s29+$0xFFFFFFD0]  }
0x51: {  	s18 =	sshrl.u32 s30, $0x2;
	v5 =	vld [tilespmem:s29+$0xFFFFFFE0]  }
0x52: {  	s19 =	sor.u32 $0x8000, s18;
	v6 =	vld [tilespmem:s29+$0xFFFFFFF0]  }
0x53: {  	s31 =	sand.u32 $0x1, s9;
	v4 =	vld [tilespmem:s29+$0x0];
	s20 =	sadd.s32 $0x0, s19  }
0x54: {  	s18 =	smul.u32 $0x10200, s31;
	v2 =	vld [tilespmem:s29+$0x10];
	[tilespmem:s20+$0x3870 ss:$0x81] =	vst.msk $0xffff, v0  }
0x55: {  	v3 =	vld [tilespmem:s29+$0x20];
	[tilespmem:s20+$0x810 ss:$0x81] =	vst.msk $0xffff, v1  }
0x56: {  	s21 =	sadd.s32 $0x80, s29;
	s18 =	sshrl.u32 s18, $0x2;
	v0 =	vld [tilespmem:s29+$0xFFFFFFC0];
	[tilespmem:s20+$0x1020 ss:$0x81] =	vst.msk $0xffff, v5  }
0x57: {  	s23 =	simm.s32 $0x8;
	s22 =	simm.s32 $0x4;
	s18 =	sor.u32 $0x8000, s18;
	v1 =	vld [tilespmem:s21+$0x30];
	[tilespmem:s20+$0x1830 ss:$0x81] =	vst.msk $0xffff, v6  }
.LBB1_5:
0x58: {  	p1 =	sne.s32 s23, $0x1FC;
	v5 =	vld [tilespmem:s21+$0xFFFFFFD0];
	[tilespmem:s20+$0x2040 ss:$0x81] =	vst.msk $0xffff, v4  }
0x59: {  	v6 =	vld [tilespmem:s21+$0xFFFFFFE0];
	[tilespmem:s20+$0x2850 ss:$0x81] =	vst.msk $0xffff, v2  }
0x5a: {  	s24 =	sshra.s32 s22, $0x2;
	s22 =	smov.u32 s23;
	v7 =	vld [tilespmem:s21+$0xFFFFFFF0];
	[tilespmem:s20+$0x3060 ss:$0x81] =	vst.msk $0xffff, v3  }
.Ltmp5:
0x5b: {  	v4 =	vld [tilespmem:s21+$0x0];
	[tilespmem:s20+$0x0 ss:$0x81] =	vst.msk $0xffff, v0;
	s20 =	sadd.s32 s24, s19;
	(pc) =	sbr.rel @p1 .LBB1_5-.Ltmp5, $4  }
0x5c: {  	v2 =	vld [tilespmem:s21+$0x10];
	[tilespmem:s20+$0x3870 ss:$0x81] =	vst.msk $0xffff, v1  }
0x5d: {  	[tilespmem:s20+$0x810 ss:$0x81] =	vst.msk $0xffff, v5;
	v3 =	vld [tilespmem:s21+$0x20]  }
0x5e: {  	v0 =	vld [tilespmem:s21+$0xFFFFFFC0];
	[tilespmem:s20+$0x1020 ss:$0x81] =	vst.msk $0xffff, v6;
	s21 =	sadd.s32 $0x80, s21  }
0x5f: {  	s23 =	sadd.s32 $0x4, s23;
	v1 =	vld [tilespmem:s21+$0x30];
	[tilespmem:s20+$0x1830 ss:$0x81] =	vst.msk $0xffff, v7  }
0x60: {  	s23 =	sshll.u32 s17, $0x8;
	s24 =	sshll.u32 s14, $0x3;
	v5 =	vld [tilespmem:s21+$0xFFFFFFD0];
	[tilespmem:s20+$0x2040 ss:$0x81] =	vst.msk $0xffff, v4  }
0x61: {  	s26 =	sshll.u32 s17, $0x7;
	v58 =	vld [tilespmem:s21+$0xFFFFFFE0];
	s23 =	sand.u32 $0xFFFFF800, s23;
	s24 =	sand.u32 $0xFFFFFC00, s24;
	[tilespmem:s20+$0x2850 ss:$0x81] =	vst.msk $0xffff, v2  }
0x62: {  	s22 =	sshra.s32 s22, $0x2;
	v59 =	vld [tilespmem:s21+$0xFFFFFFF0];
	s27 =	sand.u32 $0x300, s26;
	s23 =	sadd.s32 s23, s24;
	[tilespmem:s20+$0x3060 ss:$0x81] =	vst.msk $0xffff, v3  }
0x63: {  	v60 =	vld [tilespmem:s21+$0x0];
	s19 =	sadd.s32 s22, s19;
	s23 =	sor.u32 s27, s23;
	[tilespmem:s20+$0x0 ss:$0x81] =	vst.msk $0xffff, v0  }
0x64: {  	v61 =	vld [tilespmem:s21+$0x10];
	s16 =	smul.u32 $0x380000, s16;
	s23 =	sshrl.u32 s23, $0x8;
	[tilespmem:s19+$0x3870 ss:$0x81] =	vst.msk $0xffff, v1  }
0x65: {  	v62 =	vld [tilespmem:s21+$0x20];
	s28 =	smulhi.u32 $0x124924A, s23;
	[tilespmem:s19+$0x810 ss:$0x81] =	vst.msk $0xffff, v5  }
0x66: {  	v63 =	vld [tilespmem:s21+$0xFFFFFFC0];
	s29 =	sand.u32 $0x78, s14;
	s15 =	smul.u32 $0x1C00, s15;
	[tilespmem:s19+$0x1020 ss:$0x81] =	vst.msk $0xffff, v58  }
0x67: {  	s30 =	sand.u32 $0x7, s14;
	s17 =	sand.u32 $0x80, s26;
	[tilespmem:s19+$0x1830 ss:$0x81] =	vst.msk $0xffff, v59;
	s20 =	smul.u32 $0xE0, s28  }
.Ltmp6:
0x68: {  	s17 =	sor.u32 s29, s17;
	s16 =	sadd.s32 s3, s16;
	[tilespmem:s19+$0x2040 ss:$0x81] =	vst.msk $0xffff, v60;
	(pc) =	sbr.rel .LBB1_7-.Ltmp6, $4  }
0x69: {  	s17 =	sshrl.u32 s17, $0x3;
	s15 =	sadd.s32 s15, s16;
	[tilespmem:s19+$0x2850 ss:$0x81] =	vst.msk $0xffff, v61;
	s20 =	ssub.s32 s23, s20  }
0x6a: {  	s14 =	sshll.u32 s30, $0x12;
	s15 =	sadd.s32 s17, s15;
	[tilespmem:s19+$0x3060 ss:$0x81] =	vst.msk $0xffff, v62;
	s31 =	sshll.u32 s20, $0x5  }
0x6b: {  	s14 =	sor.u32 $0x80, s14;
	[tilespmem:s19+$0x0 ss:$0x81] =	vst.msk $0xffff, v63;
	s15 =	sadd.s32 s31, s15  }
0x6c: {  	[hbm4b:s15+s14] =	stream.strided.scatter [tilespmem:s18], [sflag:$0x2], $0x4000, s8, s14, $0x20;
	[tilespmem:$0x10100] =	vst v63  }
.LBB1_8:
0x6d: {  	_ =	sfence.sel $0x180000  }
0x6e: {  	s2 =	simm.s32 $0x1;
	[bflag:$0x0] =	sbarrier.arrive $0xFFFF  }
0x6f: {  	s31 =	simm.s32 $0x2;
	[sflag:s2] =	ssyncpa.u1 $0x1  }
0x70: {  	[sflag:s31] =	ssyncpa.u1 $0x1  }
0x71: {  	p0 =	sne.s32 s1, $0x0;
	_ =	strace $0x90000047  }
0x72: {  	s0 =	sadd.s32 @!p0 $0x100000, s0;
	[bflag:$0x2] =	sbarrier.arrive $0xFFFF  }
0x73: {  	[sflag:s0] =	ssyncadd.tile.s32 @!p0 $0x1;
	_ =	shalt  }
.Lfunc_end1:
_tile_overlayer_lowered:
.L_overlay_start_2:
0x74: {  	(tag) =	ssettag $0x2  }
0x75: {  	s0 =	rddreg [dreg:$0x0];
	s2 =	stileid.u32  }
0x76: {  	s1 =	rddreg [dreg:$0x1];
	p0 =	sne.s32 s2, $0x0  }
0x77: {  	s3 =	rddreg [dreg:$0x2];
	[bflag:$0x3] =	sbarrier.arrive $0xFFFF;
	s2 =	simm.s32 @!p0 $0x1C01  }
0x78: {  	[timem:s3], [sflag:s2] =	dma.local @!p0 [hbm:s0], s1  }
0x79: {  	s0 =	simm.s32 @!p0 $0x1  }
0x7a: {  	_ =	swait.ge @!p0 [sflag:s0], s1  }
0x7b: {  	s1 =	ssub.s32 @!p0 $0x0, s1;
	[sflag:s0] =	ssyncset.done @!p0 $0x0  }
0x7c: {  	[sflag:s0] =	ssyncadd.s32 @!p0 s1  }
0x7d: {  	[bflag:$0x3] =	sbarrier.arrive $0xFFFF  }
0x7e: {  	_ =	shalt  }

</sc_bundles>
